<compile_context>
chip_gen: v7x
topology: tpu7x:2x2x1
jax: 0.10.2.dev20260603
libtpu: 0.0.44.dev20260713+nightly
codegen_flags: <defaults>
</compile_context>

<pallas_src>
import functools

import jax
import jax.numpy as jnp
from jax import lax
from jax.experimental import pallas as pl
from jax.experimental.pallas import tpu as pltpu
from jax.experimental.pallas import tpu_sc as plsc

_CH = 128
_B = 4096 * 200
_NC = 2
_NS = 16
_NW = _NC * _NS
_BPW = _B // _NW
_CHUNK = 128
_NSTEP = _BPW // _CHUNK
_K = 5
_NG = _NSTEP // _K


@functools.partial(
    pl.kernel,
    mesh=plsc.VectorSubcoreMesh(core_axis_name="c", subcore_axis_name="s"),
    out_type=jax.ShapeDtypeStruct((_B, _CH), jnp.float32),
    scratch_types=[
        pltpu.VMEM((_NSTEP, _CHUNK), jnp.int32),
        pltpu.VMEM((_K, _CHUNK, _CH), jnp.float32),
        pltpu.SemaphoreType.DMA,
        pltpu.SemaphoreType.DMA,
    ],
)
def _pe_gather(pe_hbm, pos_hbm, out_hbm, idx_v, rows_v, gsem, wsem):
    wid = lax.axis_index("s") * _NC + lax.axis_index("c")
    base = wid * _BPW
    pltpu.sync_copy(pos_hbm.at[wid], idx_v)

    def group(g, carry):
        j0 = g * _K
        gc = [
            pltpu.async_copy(pe_hbm.at[idx_v.at[j0 + b]], rows_v.at[b], gsem)
            for b in range(_K)
        ]
        wc = []
        for b in range(_K):
            gc[b].wait()
            wc.append(
                pltpu.async_copy(
                    rows_v.at[b],
                    out_hbm.at[pl.ds(base + (j0 + b) * _CHUNK, _CHUNK)],
                    wsem,
                )
            )
        for b in range(_K):
            wc[b].wait()
        return carry

    lax.fori_loop(0, _NG, group, 0)


def kernel(pe, positions):
    pos = positions.reshape(_NW, _NSTEP, _CHUNK)
    out = _pe_gather(pe, pos)
    return out.reshape(*positions.shape, _CH)

# --- scband reference (transcript-rebuilt; emitter-appended) ---
"""Pipeline reference for scband-positional-encoder-558345748704 (READ-ONLY COPY).

The authoritative reference and input builder live on the scoring server;
editing this copy changes nothing except your own understanding.
"""

import jax, jax.numpy as jnp
import numpy as np

CHANNELS = 128
MAX_LEN = 32768
MIN_TIMESCALE = 1.0
MAX_TIMESCALE = 10000.0


def _build_pe():
    position = jnp.arange(MAX_LEN, dtype=jnp.float32)[:, None]
    num_timescales = CHANNELS // 2
    log_timescale_increment = jnp.log(jnp.asarray(MAX_TIMESCALE / MIN_TIMESCALE, dtype=jnp.float32)) / (num_timescales - 1)
    inv_timescales = MIN_TIMESCALE * jnp.exp(jnp.arange(num_timescales, dtype=jnp.float32) * -log_timescale_increment)[None, :]
    scaled_time = position * inv_timescales
    pe = jnp.concatenate([jnp.sin(scaled_time), jnp.cos(scaled_time)], axis=1).reshape(MAX_LEN, CHANNELS)
    return pe


def setup_inputs(seed: int = 0) -> dict:
    key = jax.random.key(seed)
    positions = jax.random.randint(key, (4096, 200), 0, MAX_LEN, dtype=jnp.int64 if jax.config.read('jax_enable_x64') else jnp.int32)
    pe = _build_pe()
    return {"pe": pe, "positions": positions}


def reference(pe, positions):
    # gather: pe[positions] -> (*, channels)
    return jnp.take(pe, positions, axis=0)

if __name__ == "__main__":
    import jax
    _d = setup_inputs()
    print(jax.jit(kernel)(*tuple(_d.values())))

</pallas_src>

<mosaic_0001>
#map = affine_map<(d0, d1) -> (0, 0)>
#map1 = affine_map<(d0, d1) -> (0, 0, 0)>
module attributes {stable_mosaic.version = 14 : i64} {
  func.func @_pe_gather(%arg0: i32, %arg1: i32, %arg2: memref<32768x128xf32, #tpu.memory_space<hbm>>, %arg3: memref<32x200x128xi32, #tpu.memory_space<hbm>>, %arg4: memref<819200x128xf32, #tpu.memory_space<hbm>>, %arg5: memref<200x128xi32, #tpu.memory_space<vmem>>, %arg6: memref<5x128x128xf32, #tpu.memory_space<vmem>>, %arg7: memref<!tpu.dma_semaphore, #tpu.memory_space<semaphore_mem>>, %arg8: memref<!tpu.dma_semaphore, #tpu.memory_space<semaphore_mem>>) attributes {dimension_semantics = [#tpu.dimension_semantics<core_parallel>, #tpu.dimension_semantics<subcore_parallel>], iteration_bounds = array<i64: 2, 16>, scalar_prefetch = 0 : i64, scratch_operands = 4 : i64, tpu.core_type = #tpu.core_type<sc_vector_subcore>, window_params = [{transform_indices = #map}, {transform_indices = #map1}, {transform_indices = #map}]} {
    %mul3A = arith.constant 2 : i32
    %mul3A_0 = arith.muli %arg1, %mul3A : i32
    %add3A = arith.addi %mul3A_0, %arg0 : i32
    %mul3A_1 = arith.constant 25600 : i32
    %mul3A_2 = arith.muli %add3A, %mul3A_1 : i32
    "tpu.region"() ({
      %run_scoped3A = tpu.sem_alloc : memref<!tpu.dma_semaphore, #tpu.memory_space<semaphore_mem>>
      %dma_start3A = arith.constant 0 : i32
      %dma_start3A_8 = arith.constant 0 : i32
      %dma_start3A_9 = tpu.memref_slice %arg3[%add3A, %dma_start3A, %dma_start3A_8] : memref<32x200x128xi32, #tpu.memory_space<hbm>> -> memref<1x200x128xi32, #tpu.memory_space<hbm>>
      %dma_start3A_10 = tpu.memref_squeeze %dma_start3A_9 : memref<1x200x128xi32, #tpu.memory_space<hbm>> -> memref<200x128xi32, #tpu.memory_space<hbm>>
      %dma_start3A_11 = arith.constant 0 : i32
      %dma_start3A_12 = arith.constant 0 : i32
      %dma_start3A_13 = tpu.memref_slice %arg3[%add3A, %dma_start3A_11, %dma_start3A_12] : memref<32x200x128xi32, #tpu.memory_space<hbm>> -> memref<1x200x128xi32, #tpu.memory_space<hbm>>
      %dma_start3A_14 = tpu.memref_squeeze %dma_start3A_13 : memref<1x200x128xi32, #tpu.memory_space<hbm>> -> memref<200x128xi32, #tpu.memory_space<hbm>>
      tpu.enqueue_dma source(%dma_start3A_14 : memref<200x128xi32, #tpu.memory_space<hbm>>) target(%arg5 : memref<200x128xi32, #tpu.memory_space<vmem>>) target_semaphore(%run_scoped3A : memref<!tpu.dma_semaphore, #tpu.memory_space<semaphore_mem>>)
      %dma_wait3A = arith.constant 0 : i32
      %dma_wait3A_15 = arith.constant 0 : i32
      %dma_wait3A_16 = tpu.memref_slice %arg3[%add3A, %dma_wait3A, %dma_wait3A_15] : memref<32x200x128xi32, #tpu.memory_space<hbm>> -> memref<1x200x128xi32, #tpu.memory_space<hbm>>
      %dma_wait3A_17 = tpu.memref_squeeze %dma_wait3A_16 : memref<1x200x128xi32, #tpu.memory_space<hbm>> -> memref<200x128xi32, #tpu.memory_space<hbm>>
      %dma_wait3A_18 = arith.constant 0 : i32
      %dma_wait3A_19 = arith.constant 0 : i32
      %dma_wait3A_20 = tpu.memref_slice %arg3[%add3A, %dma_wait3A_18, %dma_wait3A_19] : memref<32x200x128xi32, #tpu.memory_space<hbm>> -> memref<1x200x128xi32, #tpu.memory_space<hbm>>
      %dma_wait3A_21 = tpu.memref_squeeze %dma_wait3A_20 : memref<1x200x128xi32, #tpu.memory_space<hbm>> -> memref<200x128xi32, #tpu.memory_space<hbm>>
      tpu.wait_dma2 semaphore(%run_scoped3A : memref<!tpu.dma_semaphore, #tpu.memory_space<semaphore_mem>>) src(%dma_wait3A_21 : memref<200x128xi32, #tpu.memory_space<hbm>>) dst(%arg5 : memref<200x128xi32, #tpu.memory_space<vmem>>)
      tpu.yield
    }) : () -> ()
    %scan3A = arith.constant 0 : i32
    %scan3A_3 = arith.constant 0 : i32
    %scan3A_4 = arith.constant 40 : i32
    %scan3A_5 = arith.addi %scan3A_3, %scan3A_4 : i32
    %scan3A_6 = arith.constant 1 : i32
    scf.for %scan3A_8 = %scan3A_3 to %scan3A_5 step %scan3A_6  : i32 {
      %mul3A_9 = arith.constant 5 : i32
      %mul3A_10 = arith.muli %scan3A_8, %mul3A_9 : i32
      %add3A_11 = arith.constant 0 : i32
      %add3A_12 = arith.addi %mul3A_10, %add3A_11 : i32
      %dma_start3A = arith.constant 0 : i32
      %dma_start3A_13 = arith.constant 0 : i32
      %dma_start3A_14 = arith.constant 0 : i32
      %dma_start3A_15 = tpu.memref_slice %arg6[%dma_start3A, %dma_start3A_13, %dma_start3A_14] : memref<5x128x128xf32, #tpu.memory_space<vmem>> -> memref<1x128x128xf32, #tpu.memory_space<vmem>>
      %dma_start3A_16 = tpu.memref_squeeze %dma_start3A_15 : memref<1x128x128xf32, #tpu.memory_space<vmem>> -> memref<128x128xf32, #tpu.memory_space<vmem>>
      %dma_start3A_17 = arith.constant 0 : i32
      %dma_start3A_18 = tpu.memref_slice %arg5[%add3A_12, %dma_start3A_17] : memref<200x128xi32, #tpu.memory_space<vmem>> -> memref<1x128xi32, #tpu.memory_space<vmem>>
      %dma_start3A_19 = tpu.memref_squeeze %dma_start3A_18 : memref<1x128xi32, #tpu.memory_space<vmem>> -> memref<128xi32, #tpu.memory_space<vmem>>
      %dma_start3A_20 = arith.constant 0 : i32
      %dma_start3A_21 = arith.constant 0 : i32
      %dma_start3A_22 = tpu.memref_slice %arg2[%dma_start3A_20, %dma_start3A_21] : memref<32768x128xf32, #tpu.memory_space<hbm>> -> memref<32768x128xf32, #tpu.memory_space<hbm>>
      tpu.enqueue_indirect_dma source(%dma_start3A_22 : memref<32768x128xf32, #tpu.memory_space<hbm>>) target(%dma_start3A_16 : memref<128x128xf32, #tpu.memory_space<vmem>>) offsets(%dma_start3A_19 : memref<128xi32, #tpu.memory_space<vmem>>) semaphore(%arg7 : memref<!tpu.dma_semaphore, #tpu.memory_space<semaphore_mem>>)
      %add3A_23 = arith.constant 1 : i32
      %add3A_24 = arith.addi %mul3A_10, %add3A_23 : i32
      %dma_start3A_25 = arith.constant 1 : i32
      %dma_start3A_26 = arith.constant 0 : i32
      %dma_start3A_27 = arith.constant 0 : i32
      %dma_start3A_28 = tpu.memref_slice %arg6[%dma_start3A_25, %dma_start3A_26, %dma_start3A_27] : memref<5x128x128xf32, #tpu.memory_space<vmem>> -> memref<1x128x128xf32, #tpu.memory_space<vmem>>
      %dma_start3A_29 = tpu.memref_squeeze %dma_start3A_28 : memref<1x128x128xf32, #tpu.memory_space<vmem>> -> memref<128x128xf32, #tpu.memory_space<vmem>>
      %dma_start3A_30 = arith.constant 0 : i32
      %dma_start3A_31 = tpu.memref_slice %arg5[%add3A_24, %dma_start3A_30] : memref<200x128xi32, #tpu.memory_space<vmem>> -> memref<1x128xi32, #tpu.memory_space<vmem>>
      %dma_start3A_32 = tpu.memref_squeeze %dma_start3A_31 : memref<1x128xi32, #tpu.memory_space<vmem>> -> memref<128xi32, #tpu.memory_space<vmem>>
      %dma_start3A_33 = arith.constant 0 : i32
      %dma_start3A_34 = arith.constant 0 : i32
      %dma_start3A_35 = tpu.memref_slice %arg2[%dma_start3A_33, %dma_start3A_34] : memref<32768x128xf32, #tpu.memory_space<hbm>> -> memref<32768x128xf32, #tpu.memory_space<hbm>>
      tpu.enqueue_indirect_dma source(%dma_start3A_35 : memref<32768x128xf32, #tpu.memory_space<hbm>>) target(%dma_start3A_29 : memref<128x128xf32, #tpu.memory_space<vmem>>) offsets(%dma_start3A_32 : memref<128xi32, #tpu.memory_space<vmem>>) semaphore(%arg7 : memref<!tpu.dma_semaphore, #tpu.memory_space<semaphore_mem>>)
      %add3A_36 = arith.constant 2 : i32
      %add3A_37 = arith.addi %mul3A_10, %add3A_36 : i32
      %dma_start3A_38 = arith.constant 2 : i32
      %dma_start3A_39 = arith.constant 0 : i32
      %dma_start3A_40 = arith.constant 0 : i32
      %dma_start3A_41 = tpu.memref_slice %arg6[%dma_start3A_38, %dma_start3A_39, %dma_start3A_40] : memref<5x128x128xf32, #tpu.memory_space<vmem>> -> memref<1x128x128xf32, #tpu.memory_space<vmem>>
      %dma_start3A_42 = tpu.memref_squeeze %dma_start3A_41 : memref<1x128x128xf32, #tpu.memory_space<vmem>> -> memref<128x128xf32, #tpu.memory_space<vmem>>
      %dma_start3A_43 = arith.constant 0 : i32
      %dma_start3A_44 = tpu.memref_slice %arg5[%add3A_37, %dma_start3A_43] : memref<200x128xi32, #tpu.memory_space<vmem>> -> memref<1x128xi32, #tpu.memory_space<vmem>>
      %dma_start3A_45 = tpu.memref_squeeze %dma_start3A_44 : memref<1x128xi32, #tpu.memory_space<vmem>> -> memref<128xi32, #tpu.memory_space<vmem>>
      %dma_start3A_46 = arith.constant 0 : i32
      %dma_start3A_47 = arith.constant 0 : i32
      %dma_start3A_48 = tpu.memref_slice %arg2[%dma_start3A_46, %dma_start3A_47] : memref<32768x128xf32, #tpu.memory_space<hbm>> -> memref<32768x128xf32, #tpu.memory_space<hbm>>
      tpu.enqueue_indirect_dma source(%dma_start3A_48 : memref<32768x128xf32, #tpu.memory_space<hbm>>) target(%dma_start3A_42 : memref<128x128xf32, #tpu.memory_space<vmem>>) offsets(%dma_start3A_45 : memref<128xi32, #tpu.memory_space<vmem>>) semaphore(%arg7 : memref<!tpu.dma_semaphore, #tpu.memory_space<semaphore_mem>>)
      %add3A_49 = arith.constant 3 : i32
      %add3A_50 = arith.addi %mul3A_10, %add3A_49 : i32
      %dma_start3A_51 = arith.constant 3 : i32
      %dma_start3A_52 = arith.constant 0 : i32
      %dma_start3A_53 = arith.constant 0 : i32
      %dma_start3A_54 = tpu.memref_slice %arg6[%dma_start3A_51, %dma_start3A_52, %dma_start3A_53] : memref<5x128x128xf32, #tpu.memory_space<vmem>> -> memref<1x128x128xf32, #tpu.memory_space<vmem>>
      %dma_start3A_55 = tpu.memref_squeeze %dma_start3A_54 : memref<1x128x128xf32, #tpu.memory_space<vmem>> -> memref<128x128xf32, #tpu.memory_space<vmem>>
      %dma_start3A_56 = arith.constant 0 : i32
      %dma_start3A_57 = tpu.memref_slice %arg5[%add3A_50, %dma_start3A_56] : memref<200x128xi32, #tpu.memory_space<vmem>> -> memref<1x128xi32, #tpu.memory_space<vmem>>
      %dma_start3A_58 = tpu.memref_squeeze %dma_start3A_57 : memref<1x128xi32, #tpu.memory_space<vmem>> -> memref<128xi32, #tpu.memory_space<vmem>>
      %dma_start3A_59 = arith.constant 0 : i32
      %dma_start3A_60 = arith.constant 0 : i32
      %dma_start3A_61 = tpu.memref_slice %arg2[%dma_start3A_59, %dma_start3A_60] : memref<32768x128xf32, #tpu.memory_space<hbm>> -> memref<32768x128xf32, #tpu.memory_space<hbm>>
      tpu.enqueue_indirect_dma source(%dma_start3A_61 : memref<32768x128xf32, #tpu.memory_space<hbm>>) target(%dma_start3A_55 : memref<128x128xf32, #tpu.memory_space<vmem>>) offsets(%dma_start3A_58 : memref<128xi32, #tpu.memory_space<vmem>>) semaphore(%arg7 : memref<!tpu.dma_semaphore, #tpu.memory_space<semaphore_mem>>)
      %add3A_62 = arith.constant 4 : i32
      %add3A_63 = arith.addi %mul3A_10, %add3A_62 : i32
      %dma_start3A_64 = arith.constant 4 : i32
      %dma_start3A_65 = arith.constant 0 : i32
      %dma_start3A_66 = arith.constant 0 : i32
      %dma_start3A_67 = tpu.memref_slice %arg6[%dma_start3A_64, %dma_start3A_65, %dma_start3A_66] : memref<5x128x128xf32, #tpu.memory_space<vmem>> -> memref<1x128x128xf32, #tpu.memory_space<vmem>>
      %dma_start3A_68 = tpu.memref_squeeze %dma_start3A_67 : memref<1x128x128xf32, #tpu.memory_space<vmem>> -> memref<128x128xf32, #tpu.memory_space<vmem>>
      %dma_start3A_69 = arith.constant 0 : i32
      %dma_start3A_70 = tpu.memref_slice %arg5[%add3A_63, %dma_start3A_69] : memref<200x128xi32, #tpu.memory_space<vmem>> -> memref<1x128xi32, #tpu.memory_space<vmem>>
      %dma_start3A_71 = tpu.memref_squeeze %dma_start3A_70 : memref<1x128xi32, #tpu.memory_space<vmem>> -> memref<128xi32, #tpu.memory_space<vmem>>
      %dma_start3A_72 = arith.constant 0 : i32
      %dma_start3A_73 = arith.constant 0 : i32
      %dma_start3A_74 = tpu.memref_slice %arg2[%dma_start3A_72, %dma_start3A_73] : memref<32768x128xf32, #tpu.memory_space<hbm>> -> memref<32768x128xf32, #tpu.memory_space<hbm>>
      tpu.enqueue_indirect_dma source(%dma_start3A_74 : memref<32768x128xf32, #tpu.memory_space<hbm>>) target(%dma_start3A_68 : memref<128x128xf32, #tpu.memory_space<vmem>>) offsets(%dma_start3A_71 : memref<128xi32, #tpu.memory_space<vmem>>) semaphore(%arg7 : memref<!tpu.dma_semaphore, #tpu.memory_space<semaphore_mem>>)
      %dma_wait3A = arith.constant 0 : i32
      %dma_wait3A_75 = arith.constant 0 : i32
      %dma_wait3A_76 = arith.constant 0 : i32
      %dma_wait3A_77 = tpu.memref_slice %arg6[%dma_wait3A, %dma_wait3A_75, %dma_wait3A_76] : memref<5x128x128xf32, #tpu.memory_space<vmem>> -> memref<1x128x128xf32, #tpu.memory_space<vmem>>
      %dma_wait3A_78 = tpu.memref_squeeze %dma_wait3A_77 : memref<1x128x128xf32, #tpu.memory_space<vmem>> -> memref<128x128xf32, #tpu.memory_space<vmem>>
      %dma_wait3A_79 = arith.constant 0 : i32
      %dma_wait3A_80 = tpu.memref_slice %arg5[%add3A_12, %dma_wait3A_79] : memref<200x128xi32, #tpu.memory_space<vmem>> -> memref<1x128xi32, #tpu.memory_space<vmem>>
      %dma_wait3A_81 = tpu.memref_squeeze %dma_wait3A_80 : memref<1x128xi32, #tpu.memory_space<vmem>> -> memref<128xi32, #tpu.memory_space<vmem>>
      %dma_wait3A_82 = arith.constant 0 : i32
      %dma_wait3A_83 = arith.constant 0 : i32
      %dma_wait3A_84 = tpu.memref_slice %arg2[%dma_wait3A_82, %dma_wait3A_83] : memref<32768x128xf32, #tpu.memory_space<hbm>> -> memref<32768x128xf32, #tpu.memory_space<hbm>>
      tpu.wait_indirect_dma semaphore(%arg7 : memref<!tpu.dma_semaphore, #tpu.memory_space<semaphore_mem>>) src(%dma_wait3A_84 : memref<32768x128xf32, #tpu.memory_space<hbm>>) dst(%dma_wait3A_78 : memref<128x128xf32, #tpu.memory_space<vmem>>)
      %add3A_85 = arith.constant 0 : i32
      %add3A_86 = arith.addi %mul3A_10, %add3A_85 : i32
      %mul3A_87 = arith.constant 128 : i32
      %mul3A_88 = arith.muli %add3A_86, %mul3A_87 : i32
      %add3A_89 = arith.addi %mul3A_2, %mul3A_88 : i32
      %dma_start3A_90 = arith.constant 0 : i32
      %dma_start3A_91 = arith.constant 0 : i32
      %dma_start3A_92 = arith.constant 0 : i32
      %dma_start3A_93 = tpu.memref_slice %arg6[%dma_start3A_90, %dma_start3A_91, %dma_start3A_92] : memref<5x128x128xf32, #tpu.memory_space<vmem>> -> memref<1x128x128xf32, #tpu.memory_space<vmem>>
      %dma_start3A_94 = tpu.memref_squeeze %dma_start3A_93 : memref<1x128x128xf32, #tpu.memory_space<vmem>> -> memref<128x128xf32, #tpu.memory_space<vmem>>
      %dma_start3A_95 = arith.constant 0 : i32
      %dma_start3A_96 = tpu.memref_slice %arg4[%add3A_89, %dma_start3A_95] : memref<819200x128xf32, #tpu.memory_space<hbm>> -> memref<128x128xf32, #tpu.memory_space<hbm>>
      %dma_start3A_97 = arith.constant 0 : i32
      %dma_start3A_98 = tpu.memref_slice %arg4[%add3A_89, %dma_start3A_97] : memref<819200x128xf32, #tpu.memory_space<hbm>> -> memref<128x128xf32, #tpu.memory_space<hbm>>
      %dma_start3A_99 = arith.constant 0 : i32
      %dma_start3A_100 = arith.constant 0 : i32
      %dma_start3A_101 = tpu.memref_slice %arg6[%dma_start3A_90, %dma_start3A_99, %dma_start3A_100] : memref<5x128x128xf32, #tpu.memory_space<vmem>> -> memref<1x128x128xf32, #tpu.memory_space<vmem>>
      %dma_start3A_102 = tpu.memref_squeeze %dma_start3A_101 : memref<1x128x128xf32, #tpu.memory_space<vmem>> -> memref<128x128xf32, #tpu.memory_space<vmem>>
      tpu.enqueue_dma source(%dma_start3A_102 : memref<128x128xf32, #tpu.memory_space<vmem>>) target(%dma_start3A_98 : memref<128x128xf32, #tpu.memory_space<hbm>>) target_semaphore(%arg8 : memref<!tpu.dma_semaphore, #tpu.memory_space<semaphore_mem>>)
      %dma_wait3A_103 = arith.constant 1 : i32
      %dma_wait3A_104 = arith.constant 0 : i32
      %dma_wait3A_105 = arith.constant 0 : i32
      %dma_wait3A_106 = tpu.memref_slice %arg6[%dma_wait3A_103, %dma_wait3A_104, %dma_wait3A_105] : memref<5x128x128xf32, #tpu.memory_space<vmem>> -> memref<1x128x128xf32, #tpu.memory_space<vmem>>
      %dma_wait3A_107 = tpu.memref_squeeze %dma_wait3A_106 : memref<1x128x128xf32, #tpu.memory_space<vmem>> -> memref<128x128xf32, #tpu.memory_space<vmem>>
      %dma_wait3A_108 = arith.constant 0 : i32
      %dma_wait3A_109 = tpu.memref_slice %arg5[%add3A_24, %dma_wait3A_108] : memref<200x128xi32, #tpu.memory_space<vmem>> -> memref<1x128xi32, #tpu.memory_space<vmem>>
      %dma_wait3A_110 = tpu.memref_squeeze %dma_wait3A_109 : memref<1x128xi32, #tpu.memory_space<vmem>> -> memref<128xi32, #tpu.memory_space<vmem>>
      %dma_wait3A_111 = arith.constant 0 : i32
      %dma_wait3A_112 = arith.constant 0 : i32
      %dma_wait3A_113 = tpu.memref_slice %arg2[%dma_wait3A_111, %dma_wait3A_112] : memref<32768x128xf32, #tpu.memory_space<hbm>> -> memref<32768x128xf32, #tpu.memory_space<hbm>>
      tpu.wait_indirect_dma semaphore(%arg7 : memref<!tpu.dma_semaphore, #tpu.memory_space<semaphore_mem>>) src(%dma_wait3A_113 : memref<32768x128xf32, #tpu.memory_space<hbm>>) dst(%dma_wait3A_107 : memref<128x128xf32, #tpu.memory_space<vmem>>)
      %add3A_114 = arith.constant 1 : i32
      %add3A_115 = arith.addi %mul3A_10, %add3A_114 : i32
      %mul3A_116 = arith.constant 128 : i32
      %mul3A_117 = arith.muli %add3A_115, %mul3A_116 : i32
      %add3A_118 = arith.addi %mul3A_2, %mul3A_117 : i32
      %dma_start3A_119 = arith.constant 1 : i32
      %dma_start3A_120 = arith.constant 0 : i32
      %dma_start3A_121 = arith.constant 0 : i32
      %dma_start3A_122 = tpu.memref_slice %arg6[%dma_start3A_119, %dma_start3A_120, %dma_start3A_121] : memref<5x128x128xf32, #tpu.memory_space<vmem>> -> memref<1x128x128xf32, #tpu.memory_space<vmem>>
      %dma_start3A_123 = tpu.memref_squeeze %dma_start3A_122 : memref<1x128x128xf32, #tpu.memory_space<vmem>> -> memref<128x128xf32, #tpu.memory_space<vmem>>
      %dma_start3A_124 = arith.constant 0 : i32
      %dma_start3A_125 = tpu.memref_slice %arg4[%add3A_118, %dma_start3A_124] : memref<819200x128xf32, #tpu.memory_space<hbm>> -> memref<128x128xf32, #tpu.memory_space<hbm>>
      %dma_start3A_126 = arith.constant 0 : i32
      %dma_start3A_127 = tpu.memref_slice %arg4[%add3A_118, %dma_start3A_126] : memref<819200x128xf32, #tpu.memory_space<hbm>> -> memref<128x128xf32, #tpu.memory_space<hbm>>
      %dma_start3A_128 = arith.constant 0 : i32
      %dma_start3A_129 = arith.constant 0 : i32
      %dma_start3A_130 = tpu.memref_slice %arg6[%dma_start3A_119, %dma_start3A_128, %dma_start3A_129] : memref<5x128x128xf32, #tpu.memory_space<vmem>> -> memref<1x128x128xf32, #tpu.memory_space<vmem>>
      %dma_start3A_131 = tpu.memref_squeeze %dma_start3A_130 : memref<1x128x128xf32, #tpu.memory_space<vmem>> -> memref<128x128xf32, #tpu.memory_space<vmem>>
      tpu.enqueue_dma source(%dma_start3A_131 : memref<128x128xf32, #tpu.memory_space<vmem>>) target(%dma_start3A_127 : memref<128x128xf32, #tpu.memory_space<hbm>>) target_semaphore(%arg8 : memref<!tpu.dma_semaphore, #tpu.memory_space<semaphore_mem>>)
      %dma_wait3A_132 = arith.constant 2 : i32
      %dma_wait3A_133 = arith.constant 0 : i32
      %dma_wait3A_134 = arith.constant 0 : i32
      %dma_wait3A_135 = tpu.memref_slice %arg6[%dma_wait3A_132, %dma_wait3A_133, %dma_wait3A_134] : memref<5x128x128xf32, #tpu.memory_space<vmem>> -> memref<1x128x128xf32, #tpu.memory_space<vmem>>
      %dma_wait3A_136 = tpu.memref_squeeze %dma_wait3A_135 : memref<1x128x128xf32, #tpu.memory_space<vmem>> -> memref<128x128xf32, #tpu.memory_space<vmem>>
      %dma_wait3A_137 = arith.constant 0 : i32
      %dma_wait3A_138 = tpu.memref_slice %arg5[%add3A_37, %dma_wait3A_137] : memref<200x128xi32, #tpu.memory_space<vmem>> -> memref<1x128xi32, #tpu.memory_space<vmem>>
      %dma_wait3A_139 = tpu.memref_squeeze %dma_wait3A_138 : memref<1x128xi32, #tpu.memory_space<vmem>> -> memref<128xi32, #tpu.memory_space<vmem>>
      %dma_wait3A_140 = arith.constant 0 : i32
      %dma_wait3A_141 = arith.constant 0 : i32
      %dma_wait3A_142 = tpu.memref_slice %arg2[%dma_wait3A_140, %dma_wait3A_141] : memref<32768x128xf32, #tpu.memory_space<hbm>> -> memref<32768x128xf32, #tpu.memory_space<hbm>>
      tpu.wait_indirect_dma semaphore(%arg7 : memref<!tpu.dma_semaphore, #tpu.memory_space<semaphore_mem>>) src(%dma_wait3A_142 : memref<32768x128xf32, #tpu.memory_space<hbm>>) dst(%dma_wait3A_136 : memref<128x128xf32, #tpu.memory_space<vmem>>)
      %add3A_143 = arith.constant 2 : i32
      %add3A_144 = arith.addi %mul3A_10, %add3A_143 : i32
      %mul3A_145 = arith.constant 128 : i32
      %mul3A_146 = arith.muli %add3A_144, %mul3A_145 : i32
      %add3A_147 = arith.addi %mul3A_2, %mul3A_146 : i32
      %dma_start3A_148 = arith.constant 2 : i32
      %dma_start3A_149 = arith.constant 0 : i32
      %dma_start3A_150 = arith.constant 0 : i32
      %dma_start3A_151 = tpu.memref_slice %arg6[%dma_start3A_148, %dma_start3A_149, %dma_start3A_150] : memref<5x128x128xf32, #tpu.memory_space<vmem>> -> memref<1x128x128xf32, #tpu.memory_space<vmem>>
      %dma_start3A_152 = tpu.memref_squeeze %dma_start3A_151 : memref<1x128x128xf32, #tpu.memory_space<vmem>> -> memref<128x128xf32, #tpu.memory_space<vmem>>
      %dma_start3A_153 = arith.constant 0 : i32
      %dma_start3A_154 = tpu.memref_slice %arg4[%add3A_147, %dma_start3A_153] : memref<819200x128xf32, #tpu.memory_space<hbm>> -> memref<128x128xf32, #tpu.memory_space<hbm>>
      %dma_start3A_155 = arith.constant 0 : i32
      %dma_start3A_156 = tpu.memref_slice %arg4[%add3A_147, %dma_start3A_155] : memref<819200x128xf32, #tpu.memory_space<hbm>> -> memref<128x128xf32, #tpu.memory_space<hbm>>
      %dma_start3A_157 = arith.constant 0 : i32
      %dma_start3A_158 = arith.constant 0 : i32
      %dma_start3A_159 = tpu.memref_slice %arg6[%dma_start3A_148, %dma_start3A_157, %dma_start3A_158] : memref<5x128x128xf32, #tpu.memory_space<vmem>> -> memref<1x128x128xf32, #tpu.memory_space<vmem>>
      %dma_start3A_160 = tpu.memref_squeeze %dma_start3A_159 : memref<1x128x128xf32, #tpu.memory_space<vmem>> -> memref<128x128xf32, #tpu.memory_space<vmem>>
      tpu.enqueue_dma source(%dma_start3A_160 : memref<128x128xf32, #tpu.memory_space<vmem>>) target(%dma_start3A_156 : memref<128x128xf32, #tpu.memory_space<hbm>>) target_semaphore(%arg8 : memref<!tpu.dma_semaphore, #tpu.memory_space<semaphore_mem>>)
      %dma_wait3A_161 = arith.constant 3 : i32
      %dma_wait3A_162 = arith.constant 0 : i32
      %dma_wait3A_163 = arith.constant 0 : i32
      %dma_wait3A_164 = tpu.memref_slice %arg6[%dma_wait3A_161, %dma_wait3A_162, %dma_wait3A_163] : memref<5x128x128xf32, #tpu.memory_space<vmem>> -> memref<1x128x128xf32, #tpu.memory_space<vmem>>
      %dma_wait3A_165 = tpu.memref_squeeze %dma_wait3A_164 : memref<1x128x128xf32, #tpu.memory_space<vmem>> -> memref<128x128xf32, #tpu.memory_space<vmem>>
      %dma_wait3A_166 = arith.constant 0 : i32
      %dma_wait3A_167 = tpu.memref_slice %arg5[%add3A_50, %dma_wait3A_166] : memref<200x128xi32, #tpu.memory_space<vmem>> -> memref<1x128xi32, #tpu.memory_space<vmem>>
      %dma_wait3A_168 = tpu.memref_squeeze %dma_wait3A_167 : memref<1x128xi32, #tpu.memory_space<vmem>> -> memref<128xi32, #tpu.memory_space<vmem>>
      %dma_wait3A_169 = arith.constant 0 : i32
      %dma_wait3A_170 = arith.constant 0 : i32
      %dma_wait3A_171 = tpu.memref_slice %arg2[%dma_wait3A_169, %dma_wait3A_170] : memref<32768x128xf32, #tpu.memory_space<hbm>> -> memref<32768x128xf32, #tpu.memory_space<hbm>>
      tpu.wait_indirect_dma semaphore(%arg7 : memref<!tpu.dma_semaphore, #tpu.memory_space<semaphore_mem>>) src(%dma_wait3A_171 : memref<32768x128xf32, #tpu.memory_space<hbm>>) dst(%dma_wait3A_165 : memref<128x128xf32, #tpu.memory_space<vmem>>)
      %add3A_172 = arith.constant 3 : i32
      %add3A_173 = arith.addi %mul3A_10, %add3A_172 : i32
      %mul3A_174 = arith.constant 128 : i32
      %mul3A_175 = arith.muli %add3A_173, %mul3A_174 : i32
      %add3A_176 = arith.addi %mul3A_2, %mul3A_175 : i32
      %dma_start3A_177 = arith.constant 3 : i32
      %dma_start3A_178 = arith.constant 0 : i32
      %dma_start3A_179 = arith.constant 0 : i32
      %dma_start3A_180 = tpu.memref_slice %arg6[%dma_start3A_177, %dma_start3A_178, %dma_start3A_179] : memref<5x128x128xf32, #tpu.memory_space<vmem>> -> memref<1x128x128xf32, #tpu.memory_space<vmem>>
      %dma_start3A_181 = tpu.memref_squeeze %dma_start3A_180 : memref<1x128x128xf32, #tpu.memory_space<vmem>> -> memref<128x128xf32, #tpu.memory_space<vmem>>
      %dma_start3A_182 = arith.constant 0 : i32
      %dma_start3A_183 = tpu.memref_slice %arg4[%add3A_176, %dma_start3A_182] : memref<819200x128xf32, #tpu.memory_space<hbm>> -> memref<128x128xf32, #tpu.memory_space<hbm>>
      %dma_start3A_184 = arith.constant 0 : i32
      %dma_start3A_185 = tpu.memref_slice %arg4[%add3A_176, %dma_start3A_184] : memref<819200x128xf32, #tpu.memory_space<hbm>> -> memref<128x128xf32, #tpu.memory_space<hbm>>
      %dma_start3A_186 = arith.constant 0 : i32
      %dma_start3A_187 = arith.constant 0 : i32
      %dma_start3A_188 = tpu.memref_slice %arg6[%dma_start3A_177, %dma_start3A_186, %dma_start3A_187] : memref<5x128x128xf32, #tpu.memory_space<vmem>> -> memref<1x128x128xf32, #tpu.memory_space<vmem>>
      %dma_start3A_189 = tpu.memref_squeeze %dma_start3A_188 : memref<1x128x128xf32, #tpu.memory_space<vmem>> -> memref<128x128xf32, #tpu.memory_space<vmem>>
      tpu.enqueue_dma source(%dma_start3A_189 : memref<128x128xf32, #tpu.memory_space<vmem>>) target(%dma_start3A_185 : memref<128x128xf32, #tpu.memory_space<hbm>>) target_semaphore(%arg8 : memref<!tpu.dma_semaphore, #tpu.memory_space<semaphore_mem>>)
      %dma_wait3A_190 = arith.constant 4 : i32
      %dma_wait3A_191 = arith.constant 0 : i32
      %dma_wait3A_192 = arith.constant 0 : i32
      %dma_wait3A_193 = tpu.memref_slice %arg6[%dma_wait3A_190, %dma_wait3A_191, %dma_wait3A_192] : memref<5x128x128xf32, #tpu.memory_space<vmem>> -> memref<1x128x128xf32, #tpu.memory_space<vmem>>
      %dma_wait3A_194 = tpu.memref_squeeze %dma_wait3A_193 : memref<1x128x128xf32, #tpu.memory_space<vmem>> -> memref<128x128xf32, #tpu.memory_space<vmem>>
      %dma_wait3A_195 = arith.constant 0 : i32
      %dma_wait3A_196 = tpu.memref_slice %arg5[%add3A_63, %dma_wait3A_195] : memref<200x128xi32, #tpu.memory_space<vmem>> -> memref<1x128xi32, #tpu.memory_space<vmem>>
      %dma_wait3A_197 = tpu.memref_squeeze %dma_wait3A_196 : memref<1x128xi32, #tpu.memory_space<vmem>> -> memref<128xi32, #tpu.memory_space<vmem>>
      %dma_wait3A_198 = arith.constant 0 : i32
      %dma_wait3A_199 = arith.constant 0 : i32
      %dma_wait3A_200 = tpu.memref_slice %arg2[%dma_wait3A_198, %dma_wait3A_199] : memref<32768x128xf32, #tpu.memory_space<hbm>> -> memref<32768x128xf32, #tpu.memory_space<hbm>>
      tpu.wait_indirect_dma semaphore(%arg7 : memref<!tpu.dma_semaphore, #tpu.memory_space<semaphore_mem>>) src(%dma_wait3A_200 : memref<32768x128xf32, #tpu.memory_space<hbm>>) dst(%dma_wait3A_194 : memref<128x128xf32, #tpu.memory_space<vmem>>)
      %add3A_201 = arith.constant 4 : i32
      %add3A_202 = arith.addi %mul3A_10, %add3A_201 : i32
      %mul3A_203 = arith.constant 128 : i32
      %mul3A_204 = arith.muli %add3A_202, %mul3A_203 : i32
      %add3A_205 = arith.addi %mul3A_2, %mul3A_204 : i32
      %dma_start3A_206 = arith.constant 4 : i32
      %dma_start3A_207 = arith.constant 0 : i32
      %dma_start3A_208 = arith.constant 0 : i32
      %dma_start3A_209 = tpu.memref_slice %arg6[%dma_start3A_206, %dma_start3A_207, %dma_start3A_208] : memref<5x128x128xf32, #tpu.memory_space<vmem>> -> memref<1x128x128xf32, #tpu.memory_space<vmem>>
      %dma_start3A_210 = tpu.memref_squeeze %dma_start3A_209 : memref<1x128x128xf32, #tpu.memory_space<vmem>> -> memref<128x128xf32, #tpu.memory_space<vmem>>
      %dma_start3A_211 = arith.constant 0 : i32
      %dma_start3A_212 = tpu.memref_slice %arg4[%add3A_205, %dma_start3A_211] : memref<819200x128xf32, #tpu.memory_space<hbm>> -> memref<128x128xf32, #tpu.memory_space<hbm>>
      %dma_start3A_213 = arith.constant 0 : i32
      %dma_start3A_214 = tpu.memref_slice %arg4[%add3A_205, %dma_start3A_213] : memref<819200x128xf32, #tpu.memory_space<hbm>> -> memref<128x128xf32, #tpu.memory_space<hbm>>
      %dma_start3A_215 = arith.constant 0 : i32
      %dma_start3A_216 = arith.constant 0 : i32
      %dma_start3A_217 = tpu.memref_slice %arg6[%dma_start3A_206, %dma_start3A_215, %dma_start3A_216] : memref<5x128x128xf32, #tpu.memory_space<vmem>> -> memref<1x128x128xf32, #tpu.memory_space<vmem>>
      %dma_start3A_218 = tpu.memref_squeeze %dma_start3A_217 : memref<1x128x128xf32, #tpu.memory_space<vmem>> -> memref<128x128xf32, #tpu.memory_space<vmem>>
      tpu.enqueue_dma source(%dma_start3A_218 : memref<128x128xf32, #tpu.memory_space<vmem>>) target(%dma_start3A_214 : memref<128x128xf32, #tpu.memory_space<hbm>>) target_semaphore(%arg8 : memref<!tpu.dma_semaphore, #tpu.memory_space<semaphore_mem>>)
      %dma_wait3A_219 = arith.constant 0 : i32
      %dma_wait3A_220 = arith.constant 0 : i32
      %dma_wait3A_221 = arith.constant 0 : i32
      %dma_wait3A_222 = tpu.memref_slice %arg6[%dma_wait3A_219, %dma_wait3A_220, %dma_wait3A_221] : memref<5x128x128xf32, #tpu.memory_space<vmem>> -> memref<1x128x128xf32, #tpu.memory_space<vmem>>
      %dma_wait3A_223 = tpu.memref_squeeze %dma_wait3A_222 : memref<1x128x128xf32, #tpu.memory_space<vmem>> -> memref<128x128xf32, #tpu.memory_space<vmem>>
      %dma_wait3A_224 = arith.constant 0 : i32
      %dma_wait3A_225 = tpu.memref_slice %arg4[%add3A_89, %dma_wait3A_224] : memref<819200x128xf32, #tpu.memory_space<hbm>> -> memref<128x128xf32, #tpu.memory_space<hbm>>
      %dma_wait3A_226 = arith.constant 0 : i32
      %dma_wait3A_227 = tpu.memref_slice %arg4[%add3A_89, %dma_wait3A_226] : memref<819200x128xf32, #tpu.memory_space<hbm>> -> memref<128x128xf32, #tpu.memory_space<hbm>>
      %dma_wait3A_228 = arith.constant 0 : i32
      %dma_wait3A_229 = arith.constant 0 : i32
      %dma_wait3A_230 = tpu.memref_slice %arg6[%dma_wait3A_219, %dma_wait3A_228, %dma_wait3A_229] : memref<5x128x128xf32, #tpu.memory_space<vmem>> -> memref<1x128x128xf32, #tpu.memory_space<vmem>>
      %dma_wait3A_231 = tpu.memref_squeeze %dma_wait3A_230 : memref<1x128x128xf32, #tpu.memory_space<vmem>> -> memref<128x128xf32, #tpu.memory_space<vmem>>
      tpu.wait_dma2 semaphore(%arg8 : memref<!tpu.dma_semaphore, #tpu.memory_space<semaphore_mem>>) src(%dma_wait3A_231 : memref<128x128xf32, #tpu.memory_space<vmem>>) dst(%dma_wait3A_227 : memref<128x128xf32, #tpu.memory_space<hbm>>)
      %dma_wait3A_232 = arith.constant 1 : i32
      %dma_wait3A_233 = arith.constant 0 : i32
      %dma_wait3A_234 = arith.constant 0 : i32
      %dma_wait3A_235 = tpu.memref_slice %arg6[%dma_wait3A_232, %dma_wait3A_233, %dma_wait3A_234] : memref<5x128x128xf32, #tpu.memory_space<vmem>> -> memref<1x128x128xf32, #tpu.memory_space<vmem>>
      %dma_wait3A_236 = tpu.memref_squeeze %dma_wait3A_235 : memref<1x128x128xf32, #tpu.memory_space<vmem>> -> memref<128x128xf32, #tpu.memory_space<vmem>>
      %dma_wait3A_237 = arith.constant 0 : i32
      %dma_wait3A_238 = tpu.memref_slice %arg4[%add3A_118, %dma_wait3A_237] : memref<819200x128xf32, #tpu.memory_space<hbm>> -> memref<128x128xf32, #tpu.memory_space<hbm>>
      %dma_wait3A_239 = arith.constant 0 : i32
      %dma_wait3A_240 = tpu.memref_slice %arg4[%add3A_118, %dma_wait3A_239] : memref<819200x128xf32, #tpu.memory_space<hbm>> -> memref<128x128xf32, #tpu.memory_space<hbm>>
      %dma_wait3A_241 = arith.constant 0 : i32
      %dma_wait3A_242 = arith.constant 0 : i32
      %dma_wait3A_243 = tpu.memref_slice %arg6[%dma_wait3A_232, %dma_wait3A_241, %dma_wait3A_242] : memref<5x128x128xf32, #tpu.memory_space<vmem>> -> memref<1x128x128xf32, #tpu.memory_space<vmem>>
      %dma_wait3A_244 = tpu.memref_squeeze %dma_wait3A_243 : memref<1x128x128xf32, #tpu.memory_space<vmem>> -> memref<128x128xf32, #tpu.memory_space<vmem>>
      tpu.wait_dma2 semaphore(%arg8 : memref<!tpu.dma_semaphore, #tpu.memory_space<semaphore_mem>>) src(%dma_wait3A_244 : memref<128x128xf32, #tpu.memory_space<vmem>>) dst(%dma_wait3A_240 : memref<128x128xf32, #tpu.memory_space<hbm>>)
      %dma_wait3A_245 = arith.constant 2 : i32
      %dma_wait3A_246 = arith.constant 0 : i32
      %dma_wait3A_247 = arith.constant 0 : i32
      %dma_wait3A_248 = tpu.memref_slice %arg6[%dma_wait3A_245, %dma_wait3A_246, %dma_wait3A_247] : memref<5x128x128xf32, #tpu.memory_space<vmem>> -> memref<1x128x128xf32, #tpu.memory_space<vmem>>
      %dma_wait3A_249 = tpu.memref_squeeze %dma_wait3A_248 : memref<1x128x128xf32, #tpu.memory_space<vmem>> -> memref<128x128xf32, #tpu.memory_space<vmem>>
      %dma_wait3A_250 = arith.constant 0 : i32
      %dma_wait3A_251 = tpu.memref_slice %arg4[%add3A_147, %dma_wait3A_250] : memref<819200x128xf32, #tpu.memory_space<hbm>> -> memref<128x128xf32, #tpu.memory_space<hbm>>
      %dma_wait3A_252 = arith.constant 0 : i32
      %dma_wait3A_253 = tpu.memref_slice %arg4[%add3A_147, %dma_wait3A_252] : memref<819200x128xf32, #tpu.memory_space<hbm>> -> memref<128x128xf32, #tpu.memory_space<hbm>>
      %dma_wait3A_254 = arith.constant 0 : i32
      %dma_wait3A_255 = arith.constant 0 : i32
      %dma_wait3A_256 = tpu.memref_slice %arg6[%dma_wait3A_245, %dma_wait3A_254, %dma_wait3A_255] : memref<5x128x128xf32, #tpu.memory_space<vmem>> -> memref<1x128x128xf32, #tpu.memory_space<vmem>>
      %dma_wait3A_257 = tpu.memref_squeeze %dma_wait3A_256 : memref<1x128x128xf32, #tpu.memory_space<vmem>> -> memref<128x128xf32, #tpu.memory_space<vmem>>
      tpu.wait_dma2 semaphore(%arg8 : memref<!tpu.dma_semaphore, #tpu.memory_space<semaphore_mem>>) src(%dma_wait3A_257 : memref<128x128xf32, #tpu.memory_space<vmem>>) dst(%dma_wait3A_253 : memref<128x128xf32, #tpu.memory_space<hbm>>)
      %dma_wait3A_258 = arith.constant 3 : i32
      %dma_wait3A_259 = arith.constant 0 : i32
      %dma_wait3A_260 = arith.constant 0 : i32
      %dma_wait3A_261 = tpu.memref_slice %arg6[%dma_wait3A_258, %dma_wait3A_259, %dma_wait3A_260] : memref<5x128x128xf32, #tpu.memory_space<vmem>> -> memref<1x128x128xf32, #tpu.memory_space<vmem>>
      %dma_wait3A_262 = tpu.memref_squeeze %dma_wait3A_261 : memref<1x128x128xf32, #tpu.memory_space<vmem>> -> memref<128x128xf32, #tpu.memory_space<vmem>>
      %dma_wait3A_263 = arith.constant 0 : i32
      %dma_wait3A_264 = tpu.memref_slice %arg4[%add3A_176, %dma_wait3A_263] : memref<819200x128xf32, #tpu.memory_space<hbm>> -> memref<128x128xf32, #tpu.memory_space<hbm>>
      %dma_wait3A_265 = arith.constant 0 : i32
      %dma_wait3A_266 = tpu.memref_slice %arg4[%add3A_176, %dma_wait3A_265] : memref<819200x128xf32, #tpu.memory_space<hbm>> -> memref<128x128xf32, #tpu.memory_space<hbm>>
      %dma_wait3A_267 = arith.constant 0 : i32
      %dma_wait3A_268 = arith.constant 0 : i32
      %dma_wait3A_269 = tpu.memref_slice %arg6[%dma_wait3A_258, %dma_wait3A_267, %dma_wait3A_268] : memref<5x128x128xf32, #tpu.memory_space<vmem>> -> memref<1x128x128xf32, #tpu.memory_space<vmem>>
      %dma_wait3A_270 = tpu.memref_squeeze %dma_wait3A_269 : memref<1x128x128xf32, #tpu.memory_space<vmem>> -> memref<128x128xf32, #tpu.memory_space<vmem>>
      tpu.wait_dma2 semaphore(%arg8 : memref<!tpu.dma_semaphore, #tpu.memory_space<semaphore_mem>>) src(%dma_wait3A_270 : memref<128x128xf32, #tpu.memory_space<vmem>>) dst(%dma_wait3A_266 : memref<128x128xf32, #tpu.memory_space<hbm>>)
      %dma_wait3A_271 = arith.constant 4 : i32
      %dma_wait3A_272 = arith.constant 0 : i32
      %dma_wait3A_273 = arith.constant 0 : i32
      %dma_wait3A_274 = tpu.memref_slice %arg6[%dma_wait3A_271, %dma_wait3A_272, %dma_wait3A_273] : memref<5x128x128xf32, #tpu.memory_space<vmem>> -> memref<1x128x128xf32, #tpu.memory_space<vmem>>
      %dma_wait3A_275 = tpu.memref_squeeze %dma_wait3A_274 : memref<1x128x128xf32, #tpu.memory_space<vmem>> -> memref<128x128xf32, #tpu.memory_space<vmem>>
      %dma_wait3A_276 = arith.constant 0 : i32
      %dma_wait3A_277 = tpu.memref_slice %arg4[%add3A_205, %dma_wait3A_276] : memref<819200x128xf32, #tpu.memory_space<hbm>> -> memref<128x128xf32, #tpu.memory_space<hbm>>
      %dma_wait3A_278 = arith.constant 0 : i32
      %dma_wait3A_279 = tpu.memref_slice %arg4[%add3A_205, %dma_wait3A_278] : memref<819200x128xf32, #tpu.memory_space<hbm>> -> memref<128x128xf32, #tpu.memory_space<hbm>>
      %dma_wait3A_280 = arith.constant 0 : i32
      %dma_wait3A_281 = arith.constant 0 : i32
      %dma_wait3A_282 = tpu.memref_slice %arg6[%dma_wait3A_271, %dma_wait3A_280, %dma_wait3A_281] : memref<5x128x128xf32, #tpu.memory_space<vmem>> -> memref<1x128x128xf32, #tpu.memory_space<vmem>>
      %dma_wait3A_283 = tpu.memref_squeeze %dma_wait3A_282 : memref<1x128x128xf32, #tpu.memory_space<vmem>> -> memref<128x128xf32, #tpu.memory_space<vmem>>
      tpu.wait_dma2 semaphore(%arg8 : memref<!tpu.dma_semaphore, #tpu.memory_space<semaphore_mem>>) src(%dma_wait3A_283 : memref<128x128xf32, #tpu.memory_space<vmem>>) dst(%dma_wait3A_279 : memref<128x128xf32, #tpu.memory_space<hbm>>)
    }
    %scan3A_7 = arith.constant 40 : i32
    return
  }
}

</mosaic_0001>

<sc_bundles>
// kernel: kernel.3.cloned.1.call-start
scs
__scs_entry_jumppad:
0x0: {  	(pc) =	sbr.rel $0x88, $3  }
0x1: {  	(tag) =	ssettag $0x0;
	lr =	simm.s32 $0x1  }
0x2: {  	[smem:$0x3F9F] =	sst lr;
	_ =	strace $0xD0000000  }
0x3: {  	_ = 	snop  }
0x4: {  	_ = 	snop  }
0x5: {  	_ = 	snop  }
0x6: {  	_ = 	snop  }
0x7: {  	_ = 	snop  }
__scs_overlays_trampoline_lowered:
0x8: {  	[smem:$0x3FAE] =	sst s0  }
0x9: {  	[smem:$0x3FAF] =	sst s1  }
0xa: {  	[smem:$0x3FB0] =	sst s2  }
0xb: {  	[smem:$0x3FB1] =	sst s3  }
0xc: {  	[smem:$0x3FB2] =	sst s4  }
0xd: {  	[smem:$0x3FB3] =	sst s5  }
0xe: {  	[smem:$0x3FB4] =	sst s6  }
0xf: {  	[smem:$0x3FB5] =	sst s7  }
0x10: {  	[smem:$0x3FB6] =	sst s8  }
0x11: {  	[smem:$0x3FB7] =	sst s9;
	s0 =	simm.s32 @!p0 $0x0  }
0x12: {  	s1 =	sld [smem:$0x3F9D];
	s0 =	simm.s32 @p0 $0x1  }
0x13: {  	[smem:$0x3FB8] =	sst s0;
	s0 =	simm.s32 @!p1 $0x0  }
0x14: {  	s2 =	sld [smem:$0x3F9C];
	s0 =	simm.s32 @p1 $0x1  }
0x15: {  	[smem:$0x3FB9] =	sst s0;
	s0 =	simm.s32 @!p2 $0x0  }
0x16: {  	s3 =	sld [smem:$0x3FDB];
	s0 =	simm.s32 @p2 $0x1  }
0x17: {  	s4 =	simm.s32 $0x1BF5;
	[smem:$0x3FBB] =	sst s0  }
0x18: {  	s0 =	sld [smem:$0x3F9E];
	_ =	swait.ge [sflag:s4], $0x0  }
0x19: {  	s7 =	sld [smem:$0x3F9F]  }
0x1a: {  	s8 =	sadd.s32 $0xFFFFE003, lr  }
0x1b: {  	s9 =	sadd.s32 $0xFFFFFEF7, lr;
	s5 =	simm.s32 $0xFFFFFFFF;
	p2 =	slt.u32 s8, $0xFFFFF086  }
0x1c: {  	p1 =	slt.u32 s9, $0xF7A;
	s5 =	simm.s32 @!p2 $0x0  }
0x1d: {  	s5 =	simm.s32 @p1 $0x1;
	p0 =	seq.s32 s7, s2  }
0x1e: {  	s7 =	smul.u32 @!p0 $0xF7A, s2;
	p2 =	seq.s32 @!p0 s5, $0x0  }
0x1f: {  	s9 =	smul.u32 $0xF7A, s1;
	s8 =	simm.s32 @!p0 $0x1BF5;
	p2 =	por !p2, p0  }
0x20: {  	[sflag:s8] =	ssyncset.s32 @!p0 $0xFFFFF086;
	s6 =	sadd.s32 @!p0 s3, s7;
	s7 =	simm.s32 @!p0 $0x108  }
0x21: {  	s3 =	sadd.s32 s3, s9;
	s6 =	sadd.s32 @!p0 $0x88, s6;
	s7 =	simm.s32 @p2 $0x1082  }
0x22: {  	[simem:s7], [sflag:s8] =	dma.local @!p0 [hbm:s6], $0xF7A  }
0x23: {  	s9 =	sor.u32 $0xD0000000, s2;
	s6 =	simm.s32 $0x108;
	_ =	swait.ge @!p0 [sflag:s8], $0x0  }
0x24: {  	s3 =	sadd.s32 $0x88, s3;
	s6 =	simm.s32 @!p1 $0x1082;
	[sflag:s4] =	ssyncset.s32 $0xFFFFF086  }
0x25: {  	[simem:s6], [sflag:s4] =	dma.local [hbm:s3], $0xF7A  }
0x26: {  	[smem:$0x3F9F] =	sst s1;
	(tag) =	ssettag s2;
	_ =	strace s9  }
0x27: {  	s1 =	sld [smem:$0x3FAF]  }
0x28: {  	s2 =	sld [smem:$0x3FB0]  }
0x29: {  	s4 =	sld [smem:$0x3FB2]  }
0x2a: {  	p0 =	seq.s32 s5, $0x0;
	s5 =	sld [smem:$0x3FB3]  }
0x2b: {  	s6 =	sld [smem:$0x3FB4]  }
0x2c: {  	s7 =	sld [smem:$0x3FB5]  }
0x2d: {  	s3 =	simm.s32 $0x108;
	s8 =	sld [smem:$0x3FB6]  }
0x2e: {  	s3 =	simm.s32 @!p0 $0x1082;
	s9 =	sld [smem:$0x3FB7]  }
0x2f: {  	lr =	sadd.s32 s0, s3;
	s0 =	sld [smem:$0x3FAE]  }
0x30: {  	s3 =	sld [smem:$0x3FB1]  }
0x31: {  	[smem:$0x3FBA] =	sst s10  }
0x32: {  	s10 =	sld [smem:$0x3FB8];
	_ =	sdelay $0x3  }
0x33: {  	p0 =	seq.s32 s10, $0x1;
	s10 =	sld [smem:$0x3FBA];
	_ =	sdelay $0x3  }
0x34: {  	[smem:$0x3FBA] =	sst s10  }
0x35: {  	s10 =	sld [smem:$0x3FB9];
	_ =	sdelay $0x3  }
0x36: {  	p1 =	seq.s32 s10, $0x1;
	s10 =	sld [smem:$0x3FBA];
	_ =	sdelay $0x3  }
0x37: {  	[smem:$0x3FBA] =	sst s10  }
0x38: {  	s10 =	sld [smem:$0x3FBB]  }
0x39: {  	_ = 	snop;
	(pc) =	sbr.ind lr, $3  }
0x3a: {  	_ = 	snop  }
0x3b: {  	_ = 	snop  }
0x3c: {  	p2 =	seq.s32 s10, $0x1;
	s10 =	sld [smem:$0x3FBA]  }
0x3d: {  	_ =	shalt  }
0x3e: {  	_ =	shalt  }
0x3f: {  	_ =	shalt  }
0x40: {  	_ =	shalt  }
0x41: {  	_ =	shalt  }
0x42: {  	_ =	shalt  }
0x43: {  	_ =	shalt  }
0x44: {  	_ =	shalt  }
0x45: {  	_ =	shalt  }
0x46: {  	_ =	shalt  }
0x47: {  	_ =	shalt  }
0x48: {  	_ =	shalt  }
0x49: {  	_ =	shalt  }
0x4a: {  	_ =	shalt  }
0x4b: {  	_ =	shalt  }
0x4c: {  	_ =	shalt  }
0x4d: {  	_ =	shalt  }
0x4e: {  	_ =	shalt  }
0x4f: {  	_ =	shalt  }
0x50: {  	_ =	shalt  }
0x51: {  	_ =	shalt  }
0x52: {  	_ =	shalt  }
0x53: {  	_ =	shalt  }
0x54: {  	_ =	shalt  }
0x55: {  	_ =	shalt  }
0x56: {  	_ =	shalt  }
0x57: {  	_ =	shalt  }
0x58: {  	_ =	shalt  }
0x59: {  	_ =	shalt  }
0x5a: {  	_ =	shalt  }
0x5b: {  	_ =	shalt  }
0x5c: {  	_ =	shalt  }
0x5d: {  	_ =	shalt  }
0x5e: {  	_ =	shalt  }
0x5f: {  	_ =	shalt  }
0x60: {  	_ =	shalt  }
0x61: {  	_ =	shalt  }
0x62: {  	_ =	shalt  }
0x63: {  	_ =	shalt  }
0x64: {  	_ =	shalt  }
0x65: {  	_ =	shalt  }
0x66: {  	_ =	shalt  }
0x67: {  	_ =	shalt  }
0x68: {  	_ =	shalt  }
0x69: {  	_ =	shalt  }
0x6a: {  	_ =	shalt  }
0x6b: {  	_ =	shalt  }
0x6c: {  	_ =	shalt  }
0x6d: {  	_ =	shalt  }
0x6e: {  	_ =	shalt  }
0x6f: {  	_ =	shalt  }
0x70: {  	_ =	shalt  }
0x71: {  	_ =	shalt  }
0x72: {  	_ =	shalt  }
0x73: {  	_ =	shalt  }
0x74: {  	_ =	shalt  }
0x75: {  	_ =	shalt  }
0x76: {  	_ =	shalt  }
0x77: {  	_ =	shalt  }
0x78: {  	_ =	shalt  }
0x79: {  	_ =	shalt  }
0x7a: {  	_ =	shalt  }
0x7b: {  	_ =	shalt  }
0x7c: {  	_ =	shalt  }
0x7d: {  	_ =	shalt  }
0x7e: {  	_ =	shalt  }
0x7f: {  	_ =	shalt  }
0x80: {  	_ =	shalt  }
0x81: {  	_ =	shalt  }
0x82: {  	_ =	shalt  }
0x83: {  	_ =	shalt  }
0x84: {  	_ =	shalt  }
0x85: {  	_ =	shalt  }
0x86: {  	_ =	shalt  }
0x87: {  	_ =	shalt  }
.Lfunc_end0:
.L_simem_size_0:
called_computation_lowered:
.L_overlay_start_0:
0x88: {  	s2 =	sld [smem:$0x3FD9]  }
0x89: {  	s3 =	sld [smem:$0x3FFE];
	_ =	sdelay $0x1  }
0x8a: {  	s1 =	srdreg.scid  }
0x8b: {  	s0 =	sand.u32 $0x1, s1  }
0x8c: {  	s17 =	sshll.u32 s0, $0xA;
	s2 =	sadd.s32 s3, s2  }
0x8d: {  	s2 =	sadd.s32 s2, s17  }
0x8e: {  	[smem:$0x3FC6] =	sst s2  }
0x8f: {  	_ = 	snop  }
0x90: {  	s2 =	sld [smem:$0x3FC9]  }
0x91: {  	s18 =	sld [smem:$0x3FD0];
	(tm) =	ssettm $0x1  }
0x92: {  	s4 =	sld [smem:$0x3FFB];
	_ =	sdelay $0x3  }
0x93: {  	_ =	strace s4  }
0x94: {  	s4 =	sld [smem:$0x3FFC];
	_ =	sdelay $0x3  }
0x95: {  	_ =	strace s4  }
0x96: {  	s4 =	sld [smem:$0x3FFD];
	_ =	sdelay $0x3  }
0x97: {  	_ =	strace s4  }
0x98: {  	_ =	strace $0x8FFFFFFF  }
0x99: {  	s19 =	sld [smem:$0x3FDB];
	_ =	sdelay $0x1  }
0x9a: {  	s5 =	simm.s32 $_scs_section_size  }
0x9b: {  	s6 =	simm.s32 $_size__tile_overlayer_lowered;
	s7 =	simm.s32 $_tile_overlayer_lowered  }
0x9c: {  	s22 =	simm.s32 $0x1BFF;
	s21 =	sshll.u32 s7, $0x1;
	s4 =	sadd.s32 s5, s19  }
0x9d: {  	s8 =	simm.s32 $0x0;
	s20 =	sshll.u32 s6, $0x1;
	s6 =	sadd.s32 s21, s4  }
0x9e: {  	[timem:s8], [sflag:s22] =	dma.local [hbm:s6], s20  }
0x9f: {  	_ =	swait.ge [sflag:s22], s20  }
0xa0: {  	s5 =	ssub.s32 $0x0, s20;
	[sflag:s22] =	ssyncset.done $0x0  }
0xa1: {  	[sflag:s22] =	ssyncadd.s32 s5;
	_ =	sdelay $0x1  }
0xa2: {  	s23 =	simm.s32 $0x1B8B  }
0xa3: {  	_ =	swait.ge [sflag:s23], $0x1  }
0xa4: {  	[sflag:s23] =	ssyncset.done $0x0  }
0xa5: {  	s25 =	simm.s32 $0x1B8E;
	s24 =	sld [smem:$0x3FFE];
	[sflag:s23] =	ssyncadd.s32 $0xFFFFFFFF  }
0xa6: {  	s26 =	simm.s32 $execute0_lowered;
	[smem:$0x3FD2] =	sst s25  }
0xa7: {  	s6 =	sshll.u32 s26, $0x1;
	_ =	strace $0x80000046;
	[dreg:$0x1] =	wrdreg $0xFFFFFFFF  }
0xa8: {  	s28 =	simm.s32 $_size_execute0_lowered;
	s4 =	sadd.s32 s4, s6;
	[dreg:$0x0] =	wrdreg $0x0  }
0xa9: {  	s6 =	sshll.u32 s28, $0x1;
	[dreg:$0x2] =	wrdreg s4  }
0xaa: {  	[dreg:$0x3] =	wrdreg s6  }
0xab: {  	[dreg:$0x4] =	wrdreg $0xC0  }
0xac: {  	_ =	task [dreg:s8], $0x5FFFF  }
0xad: {  	[dreg:$0x1] =	wrdreg $0xFFFFFFFF  }
0xae: {  	[dreg:$0x0] =	wrdreg $0x60  }
0xaf: {  	[dreg:$0x2] =	wrdreg s2  }
0xb0: {  	[dreg:$0x3] =	wrdreg s24  }
0xb1: {  	[dreg:$0x4] =	wrdreg s18  }
0xb2: {  	[dreg:$0x5] =	wrdreg $0x9  }
0xb3: {  	_ =	task.clear_ibuf [dreg:s8], $0x6FFFF;
	_ =	strace $0x90000046  }
0xb4: {  	s29 =	simm.s32 $0x9;
	_ =	strace $0x80000048  }
0xb5: {  	_ =	swait.ge [sflag:s29], $0x1  }
0xb6: {  	[sflag:s29] =	ssyncadd.s32 $0xFFFFFFFF  }
0xb7: {  	_ =	strace $0x90000048  }
0xb8: {  	_ =	sfence  }
0xb9: {  	s30 =	sld [smem:$0x0];
	_ =	sdelay $0x2  }
0xba: {  	s31 =	sshll.u32 s1, $0xD;
	s1 =	sshrl.u32 s1, $0x2  }
0xbb: {  	s3 =	sand.u32 $0x4000, s31;
	s1 =	sadd.s32 s1, s30  }
0xbc: {  	s0 =	sor.u32 s3, s0;
	s1 =	sshll.u32 s1, $0x11  }
0xbd: {  	s0 =	sor.u32 s1, s0  }
0xbe: {  	s0 =	sadd.s32 $0x8F2B, s0  }
0xbf: {  	[sflag:s0] =	ssyncadd.remote.s32 $0x1  }
0xc0: {  	_ =	sfence.sel $0xFFFF  }
0xc1: {  	[dreg:$0x0] =	wrdreg $0xFFFFFFFF;
	(pc) =	sbr.abs _section_cstart, $3  }
0xc2: {  	[dreg:$0x1] =	wrdreg $0xFFFFFFFF  }
0xc3: {  	_ =	task.clear_ibuf [dreg:s8], $0x2FFFF;
	_ =	strace $0x9FFFFFFF  }
0xc4: {  	(tm) =	ssettm $0x7FFFFFFF  }
0xc5: {  	_ =	shalt  }
tec
execute0_lowered:
.L_overlay_start_1:
0x0: {  	(tag) =	ssettag $0x1  }
0x1: {  	s1 =	rddreg [dreg:$0x0]  }
0x2: {  	s4 =	rddreg [dreg:$0x1]  }
0x3: {  	s2 =	srdreg.scid;
	s0 =	stileid.u32  }
0x4: {  	s5 =	rddreg [dreg:$0x2];
	s3 =	simm.s32 $0x0;
	s10 =	simm.s32 $0xA400  }
0x5: {  	s11 =	simm.s32 $0xE400;
	s12 =	simm.s32 $0x12400;
	s13 =	simm.s32 $0x16400  }
0x6: {  	s14 =	simm.s32 $0x1;
	s15 =	simm.s32 $0x2;
	s6 =	sand.u32 $0x1, s2  }
0x7: {  	s7 =	sshll.u32 s0, $0x1;
	s2 =	rddreg [dreg:$0x3];
	s9 =	smul.u32 $0xC8000, s0  }
0x8: {  	s7 =	sor.u32 s6, s7;
	s8 =	ssub.s32 $0x2, s6;
	s6 =	smul.u32 $0x64000, s6  }
0x9: {  	s16 =	simm.s32 $0x0;
	[smem:$0x7FF] =	sst s3;
	s7 =	smul.u32 $0x6400, s7  }
0xa: {  	_ =	strace $0x80000047;
	s30 =	sshrl.u32 s8, $0x1;
	s31 =	sadd.s32 s9, s5  }
0xb: {  	s9 =	simm.s32 $0x6400;
	s6 =	sadd.s32 s6, s31;
	s7 =	sshrl.u32 s7, $0x3  }
0xc: {  	s4 =	sadd.s32 s7, s4;
	s7 =	ssub.s32 s8, s30;
	s8 =	simm.s32 $0x80  }
0xd: {  	s4 =	sadd.s32 $0x400, s4;
	s5 =	smax.u32 s7, $0x1;
	s7 =	simm.s32 $0x3  }
.LBB2_1:
0xe: {  	[tilespmem:s3], [sflag:$0x3] =	stream.linear.gather [hbm4b:s4+s3], $0x6400, $0x38;
	[tilespmem:$0x1A400] =	vst v63  }
0xf: {  	_ =	swait.ge [sflag:s7], $0x6400  }
0x10: {  	[sflag:s7] =	ssyncset.done $0x0  }
0x11: {  	s17 =	simm.s32 $0x0;
	[sflag:s7] =	ssyncadd.s32 $0xFFFF9C00  }
0x12: {  	[tilespmem:s9], [sflag:$0x1] =	stream.indirect.gather [hbm4b:s1+s8], $0x80, s17, s8, $0xb8;
	[tilespmem:$0x1A400] =	vst v63  }
0x13: {  	s24 =	simm.s32 $0x80  }
0x14: {  	[tilespmem:s10], [sflag:$0x1] =	stream.indirect.gather [hbm4b:s1+s8], $0x80, s24, s8, $0xb8;
	[tilespmem:$0x1A400] =	vst v63  }
0x15: {  	s25 =	simm.s32 $0x100  }
0x16: {  	[tilespmem:s11], [sflag:$0x1] =	stream.indirect.gather [hbm4b:s1+s8], $0x80, s25, s8, $0xb8;
	[tilespmem:$0x1A400] =	vst v63  }
0x17: {  	s26 =	simm.s32 $0x180  }
0x18: {  	[tilespmem:s12], [sflag:$0x1] =	stream.indirect.gather [hbm4b:s1+s8], $0x80, s26, s8, $0xb8;
	[tilespmem:$0x1A400] =	vst v63  }
0x19: {  	s28 =	simm.s32 $0x200  }
0x1a: {  	[tilespmem:s13], [sflag:$0x1] =	stream.indirect.gather [hbm4b:s1+s8], $0x80, s28, s8, $0xb8;
	[tilespmem:$0x1A400] =	vst v63  }
0x1b: {  	_ =	swait.ge [sflag:s14], $0x4000  }
0x1c: {  	[sflag:s14] =	ssyncset.done $0x0  }
0x1d: {  	s29 =	sadd.s32 $0x0, s6;
	[sflag:s14] =	ssyncadd.s32 $0xFFFFC000  }
0x1e: {  	[hbm4b:s29+s3] =	stream.linear.scatter [tilespmem:s9], [sflag:$0x2], $0x4000, $0x38;
	[tilespmem:$0x1A400] =	vst v63  }
0x1f: {  	_ =	swait.ge [sflag:s14], $0x4000  }
0x20: {  	[sflag:s14] =	ssyncset.done $0x0  }
0x21: {  	s18 =	sadd.s32 $0x800, s29;
	[sflag:s14] =	ssyncadd.s32 $0xFFFFC000  }
0x22: {  	[hbm4b:s18+s3] =	stream.linear.scatter [tilespmem:s10], [sflag:$0x2], $0x4000, $0x38;
	[tilespmem:$0x1A400] =	vst v63  }
0x23: {  	_ =	swait.ge [sflag:s14], $0x4000  }
0x24: {  	[sflag:s14] =	ssyncset.done $0x0  }
0x25: {  	s30 =	sadd.s32 $0x1000, s29;
	[sflag:s14] =	ssyncadd.s32 $0xFFFFC000  }
0x26: {  	[hbm4b:s30+s3] =	stream.linear.scatter [tilespmem:s11], [sflag:$0x2], $0x4000, $0x38;
	[tilespmem:$0x1A400] =	vst v63  }
0x27: {  	_ =	swait.ge [sflag:s14], $0x4000  }
0x28: {  	[sflag:s14] =	ssyncset.done $0x0  }
0x29: {  	s31 =	sadd.s32 $0x1800, s29;
	[sflag:s14] =	ssyncadd.s32 $0xFFFFC000  }
0x2a: {  	[hbm4b:s31+s3] =	stream.linear.scatter [tilespmem:s12], [sflag:$0x2], $0x4000, $0x38;
	[tilespmem:$0x1A400] =	vst v63  }
0x2b: {  	_ =	swait.ge [sflag:s14], $0x4000  }
0x2c: {  	[sflag:s14] =	ssyncset.done $0x0  }
0x2d: {  	s17 =	sadd.s32 $0x2000, s29;
	[sflag:s14] =	ssyncadd.s32 $0xFFFFC000  }
0x2e: {  	[hbm4b:s17+s3] =	stream.linear.scatter [tilespmem:s13], [sflag:$0x2], $0x4000, $0x38;
	[tilespmem:$0x1A400] =	vst v63  }
0x2f: {  	_ =	swait.ge [sflag:s15], $0x4000  }
0x30: {  	[sflag:s15] =	ssyncset.done $0x0  }
0x31: {  	[sflag:s15] =	ssyncadd.s32 $0xFFFFC000  }
0x32: {  	_ =	swait.ge [sflag:s15], $0x4000  }
0x33: {  	[sflag:s15] =	ssyncset.done $0x0  }
0x34: {  	[sflag:s15] =	ssyncadd.s32 $0xFFFFC000  }
0x35: {  	_ =	swait.ge [sflag:s15], $0x4000  }
0x36: {  	[sflag:s15] =	ssyncset.done $0x0  }
0x37: {  	[sflag:s15] =	ssyncadd.s32 $0xFFFFC000  }
0x38: {  	_ =	swait.ge [sflag:s15], $0x4000  }
0x39: {  	[sflag:s15] =	ssyncset.done $0x0  }
0x3a: {  	[sflag:s15] =	ssyncadd.s32 $0xFFFFC000  }
0x3b: {  	s19 =	simm.s32 $0x5000;
	_ =	swait.ge [sflag:s15], $0x4000  }
0x3c: {  	s18 =	simm.s32 $0x480;
	s17 =	simm.s32 $0x2800;
	[sflag:s15] =	ssyncset.done $0x0  }
.LBB2_2:
0x3d: {  	p0 =	sne.s32 s19, $0x61800;
	s20 =	sadd.s32 $0xFFFFFE00, s18;
	[sflag:s15] =	ssyncadd.s32 $0xFFFFC000  }
0x3e: {  	[tilespmem:s9], [sflag:$0x1] =	stream.indirect.gather [hbm4b:s1+s8], $0x80, s20, s8, $0xb8;
	[tilespmem:$0x1A400] =	vst v63  }
0x3f: {  	s21 =	smov.u32 s19;
	s19 =	sadd.s32 $0x2800, s19;
	s20 =	sadd.s32 $0xFFFFFE80, s18  }
0x40: {  	[tilespmem:s10], [sflag:$0x1] =	stream.indirect.gather [hbm4b:s1+s8], $0x80, s20, s8, $0xb8;
	[tilespmem:$0x1A400] =	vst v63  }
0x41: {  	s20 =	sadd.s32 $0xFFFFFF00, s18  }
0x42: {  	[tilespmem:s11], [sflag:$0x1] =	stream.indirect.gather [hbm4b:s1+s8], $0x80, s20, s8, $0xb8;
	[tilespmem:$0x1A400] =	vst v63  }
0x43: {  	s20 =	sadd.s32 $0xFFFFFF80, s18  }
0x44: {  	[tilespmem:s12], [sflag:$0x1] =	stream.indirect.gather [hbm4b:s1+s8], $0x80, s20, s8, $0xb8;
	[tilespmem:$0x1A400] =	vst v63  }
0x45: {  	_ = 	snop  }
0x46: {  	[tilespmem:s13], [sflag:$0x1] =	stream.indirect.gather [hbm4b:s1+s8], $0x80, s18, s8, $0xb8;
	[tilespmem:$0x1A400] =	vst v63  }
0x47: {  	_ =	swait.ge [sflag:s14], $0x4000  }
0x48: {  	[sflag:s14] =	ssyncset.done $0x0  }
0x49: {  	s20 =	sadd.s32 s17, s6;
	s17 =	smov.u32 s21;
	[sflag:s14] =	ssyncadd.s32 $0xFFFFC000  }
0x4a: {  	[hbm4b:s20+s3] =	stream.linear.scatter [tilespmem:s9], [sflag:$0x2], $0x4000, $0x38;
	[tilespmem:$0x1A400] =	vst v63  }
0x4b: {  	_ =	swait.ge [sflag:s14], $0x4000  }
0x4c: {  	[sflag:s14] =	ssyncset.done $0x0  }
0x4d: {  	s21 =	sadd.s32 $0x800, s20;
	[sflag:s14] =	ssyncadd.s32 $0xFFFFC000  }
0x4e: {  	[hbm4b:s21+s3] =	stream.linear.scatter [tilespmem:s10], [sflag:$0x2], $0x4000, $0x38;
	[tilespmem:$0x1A400] =	vst v63  }
0x4f: {  	_ =	swait.ge [sflag:s14], $0x4000  }
0x50: {  	[sflag:s14] =	ssyncset.done $0x0  }
0x51: {  	s21 =	sadd.s32 $0x1000, s20;
	[sflag:s14] =	ssyncadd.s32 $0xFFFFC000  }
0x52: {  	[hbm4b:s21+s3] =	stream.linear.scatter [tilespmem:s11], [sflag:$0x2], $0x4000, $0x38;
	[tilespmem:$0x1A400] =	vst v63  }
0x53: {  	_ =	swait.ge [sflag:s14], $0x4000  }
0x54: {  	[sflag:s14] =	ssyncset.done $0x0  }
0x55: {  	s21 =	sadd.s32 $0x1800, s20;
	[sflag:s14] =	ssyncadd.s32 $0xFFFFC000  }
0x56: {  	[hbm4b:s21+s3] =	stream.linear.scatter [tilespmem:s12], [sflag:$0x2], $0x4000, $0x38;
	[tilespmem:$0x1A400] =	vst v63  }
0x57: {  	_ =	swait.ge [sflag:s14], $0x4000  }
0x58: {  	[sflag:s14] =	ssyncset.done $0x0  }
0x59: {  	s20 =	sadd.s32 $0x2000, s20;
	[sflag:s14] =	ssyncadd.s32 $0xFFFFC000  }
0x5a: {  	[hbm4b:s20+s3] =	stream.linear.scatter [tilespmem:s13], [sflag:$0x2], $0x4000, $0x38;
	[tilespmem:$0x1A400] =	vst v63  }
0x5b: {  	_ =	swait.ge [sflag:s15], $0x4000  }
0x5c: {  	[sflag:s15] =	ssyncset.done $0x0  }
0x5d: {  	[sflag:s15] =	ssyncadd.s32 $0xFFFFC000  }
0x5e: {  	_ =	swait.ge [sflag:s15], $0x4000  }
0x5f: {  	[sflag:s15] =	ssyncset.done $0x0  }
0x60: {  	[sflag:s15] =	ssyncadd.s32 $0xFFFFC000  }
0x61: {  	_ =	swait.ge [sflag:s15], $0x4000  }
0x62: {  	[sflag:s15] =	ssyncset.done $0x0  }
0x63: {  	[sflag:s15] =	ssyncadd.s32 $0xFFFFC000  }
.Ltmp0:
0x64: {  	_ =	swait.ge [sflag:s15], $0x4000;
	(pc) =	sbr.rel @p0 .LBB2_2-.Ltmp0, $4  }
0x65: {  	[sflag:s15] =	ssyncset.done $0x0  }
0x66: {  	[sflag:s15] =	ssyncadd.s32 $0xFFFFC000  }
0x67: {  	_ =	swait.ge [sflag:s15], $0x4000  }
0x68: {  	s18 =	sadd.s32 $0x280, s18;
	[sflag:s15] =	ssyncset.done $0x0  }
0x69: {  	s19 =	sadd.s32 $0xFFFFFE00, s18;
	[sflag:s15] =	ssyncadd.s32 $0xFFFFC000  }
0x6a: {  	[tilespmem:s9], [sflag:$0x1] =	stream.indirect.gather [hbm4b:s1+s8], $0x80, s19, s8, $0xb8;
	[tilespmem:$0x1A400] =	vst v63  }
0x6b: {  	s25 =	sadd.s32 $0xFFFFFE80, s18  }
0x6c: {  	[tilespmem:s10], [sflag:$0x1] =	stream.indirect.gather [hbm4b:s1+s8], $0x80, s25, s8, $0xb8;
	[tilespmem:$0x1A400] =	vst v63  }
0x6d: {  	s26 =	sadd.s32 $0xFFFFFF00, s18  }
0x6e: {  	[tilespmem:s11], [sflag:$0x1] =	stream.indirect.gather [hbm4b:s1+s8], $0x80, s26, s8, $0xb8;
	[tilespmem:$0x1A400] =	vst v63  }
0x6f: {  	s28 =	sadd.s32 $0xFFFFFF80, s18  }
0x70: {  	[tilespmem:s12], [sflag:$0x1] =	stream.indirect.gather [hbm4b:s1+s8], $0x80, s28, s8, $0xb8;
	[tilespmem:$0x1A400] =	vst v63  }
0x71: {  	_ = 	snop  }
0x72: {  	[tilespmem:s13], [sflag:$0x1] =	stream.indirect.gather [hbm4b:s1+s8], $0x80, s18, s8, $0xb8;
	[tilespmem:$0x1A400] =	vst v63  }
0x73: {  	_ =	swait.ge [sflag:s14], $0x4000  }
0x74: {  	[sflag:s14] =	ssyncset.done $0x0  }
0x75: {  	s17 =	sadd.s32 s17, s6;
	[sflag:s14] =	ssyncadd.s32 $0xFFFFC000  }
0x76: {  	[hbm4b:s17+s3] =	stream.linear.scatter [tilespmem:s9], [sflag:$0x2], $0x4000, $0x38;
	[tilespmem:$0x1A400] =	vst v63  }
0x77: {  	_ =	swait.ge [sflag:s14], $0x4000  }
0x78: {  	[sflag:s14] =	ssyncset.done $0x0  }
0x79: {  	s29 =	sadd.s32 $0x800, s17;
	[sflag:s14] =	ssyncadd.s32 $0xFFFFC000  }
0x7a: {  	[hbm4b:s29+s3] =	stream.linear.scatter [tilespmem:s10], [sflag:$0x2], $0x4000, $0x38;
	[tilespmem:$0x1A400] =	vst v63  }
0x7b: {  	_ =	swait.ge [sflag:s14], $0x4000  }
0x7c: {  	[sflag:s14] =	ssyncset.done $0x0  }
0x7d: {  	s30 =	sadd.s32 $0x1000, s17;
	[sflag:s14] =	ssyncadd.s32 $0xFFFFC000  }
0x7e: {  	[hbm4b:s30+s3] =	stream.linear.scatter [tilespmem:s11], [sflag:$0x2], $0x4000, $0x38;
	[tilespmem:$0x1A400] =	vst v63  }
0x7f: {  	_ =	swait.ge [sflag:s14], $0x4000  }
0x80: {  	[sflag:s14] =	ssyncset.done $0x0  }
0x81: {  	s31 =	sadd.s32 $0x1800, s17;
	[sflag:s14] =	ssyncadd.s32 $0xFFFFC000  }
0x82: {  	[hbm4b:s31+s3] =	stream.linear.scatter [tilespmem:s12], [sflag:$0x2], $0x4000, $0x38;
	[tilespmem:$0x1A400] =	vst v63  }
0x83: {  	_ =	swait.ge [sflag:s14], $0x4000  }
0x84: {  	[sflag:s14] =	ssyncset.done $0x0  }
0x85: {  	s17 =	sadd.s32 $0x2000, s17;
	[sflag:s14] =	ssyncadd.s32 $0xFFFFC000  }
0x86: {  	[hbm4b:s17+s3] =	stream.linear.scatter [tilespmem:s13], [sflag:$0x2], $0x4000, $0x38;
	[tilespmem:$0x1A400] =	vst v63  }
0x87: {  	_ =	swait.ge [sflag:s15], $0x4000  }
0x88: {  	[sflag:s15] =	ssyncset.done $0x0  }
0x89: {  	[sflag:s15] =	ssyncadd.s32 $0xFFFFC000  }
0x8a: {  	_ =	swait.ge [sflag:s15], $0x4000  }
0x8b: {  	[sflag:s15] =	ssyncset.done $0x0  }
0x8c: {  	[sflag:s15] =	ssyncadd.s32 $0xFFFFC000  }
0x8d: {  	_ =	swait.ge [sflag:s15], $0x4000  }
0x8e: {  	[sflag:s15] =	ssyncset.done $0x0  }
0x8f: {  	s16 =	sadd.s32 $0x1, s16;
	[sflag:s15] =	ssyncadd.s32 $0xFFFFC000  }
0x90: {  	p0 =	sne.s32 s16, s5;
	_ =	swait.ge [sflag:s15], $0x4000  }
.Ltmp1:
0x91: {  	[sflag:s15] =	ssyncset.done $0x0;
	(pc) =	sbr.rel @p0 .LBB2_1-.Ltmp1, $4  }
0x92: {  	[sflag:s15] =	ssyncadd.s32 $0xFFFFC000  }
0x93: {  	_ =	swait.ge [sflag:s15], $0x4000  }
0x94: {  	[sflag:s15] =	ssyncset.done $0x0  }
0x95: {  	[sflag:s15] =	ssyncadd.s32 $0xFFFFC000  }
0x96: {  	_ =	sfence.sel $0x180000  }
0x97: {  	[bflag:$0x0] =	sbarrier.arrive $0xFFFF  }
0x98: {  	p0 =	sne.s32 s0, $0x0;
	_ =	strace $0x90000047  }
0x99: {  	s0 =	sadd.s32 @!p0 $0x100000, s2;
	[bflag:$0x2] =	sbarrier.arrive $0xFFFF  }
0x9a: {  	[sflag:s0] =	ssyncadd.tile.s32 @!p0 $0x1;
	_ =	shalt  }
.Lfunc_end2:
_tile_overlayer_lowered:
.L_overlay_start_2:
0x9b: {  	(tag) =	ssettag $0x2  }
0x9c: {  	s0 =	rddreg [dreg:$0x0];
	s2 =	stileid.u32  }
0x9d: {  	s1 =	rddreg [dreg:$0x1];
	p0 =	sne.s32 s2, $0x0  }
0x9e: {  	s3 =	rddreg [dreg:$0x2];
	[bflag:$0x3] =	sbarrier.arrive $0xFFFF;
	s2 =	simm.s32 @!p0 $0x1C03  }
0x9f: {  	[timem:s3], [sflag:s2] =	dma.local @!p0 [hbm:s0], s1  }
0xa0: {  	s0 =	simm.s32 @!p0 $0x3  }
0xa1: {  	_ =	swait.ge @!p0 [sflag:s0], s1  }
0xa2: {  	s1 =	ssub.s32 @!p0 $0x0, s1;
	[sflag:s0] =	ssyncset.done @!p0 $0x0  }
0xa3: {  	[sflag:s0] =	ssyncadd.s32 @!p0 s1  }
0xa4: {  	[bflag:$0x3] =	sbarrier.arrive $0xFFFF  }
0xa5: {  	_ =	shalt  }

</sc_bundles>
